<compile_context>
chip_gen: v7x
topology: tpu7x:2x2x1
jax: 0.10.2.dev20260603
libtpu: 0.0.44.dev20260713+nightly
codegen_flags: <defaults>
</compile_context>

<pallas_src>
import functools

import jax
import jax.numpy as jnp
from jax import lax
from jax.experimental import pallas as pl
from jax.experimental.pallas import tpu as pltpu
from jax.experimental.pallas import tpu_sc as plsc

VOCAB = 100000
EMBED_D = 16
BATCH = 1024

V_BLK = 2048


@functools.cache
def _build_sc_gather():
    info = plsc.get_sparse_core_info()
    nc, ns, lanes = info.num_cores, info.num_subcores, info.num_lanes
    nw = nc * ns
    b_per_w = BATCH // nw
    n_grp = b_per_w // lanes

    mesh = plsc.VectorSubcoreMesh(core_axis_name="c", subcore_axis_name="s")

    n_idx = b_per_w * EMBED_D

    @functools.partial(
        pl.kernel,
        mesh=mesh,
        out_type=jax.ShapeDtypeStruct((BATCH * EMBED_D,), jnp.float32),
        scratch_types=[
            pltpu.VMEM((b_per_w,), jnp.int32),
            pltpu.VMEM((n_idx,), jnp.int32),
            pltpu.VMEM((n_idx,), jnp.float32),
            pltpu.SemaphoreType.DMA,
        ],
        compiler_params=pltpu.CompilerParams(use_tc_tiling_on_sc=False),
    )
    def gather(flat_hbm, idx_hbm, out_hbm, idx_v, rows_v, vals_v, sem):
        wid = lax.axis_index("s") * nc + lax.axis_index("c")
        base = wid * b_per_w
        pltpu.sync_copy(idx_hbm.at[pl.ds(base, b_per_w)], idx_v)
        d_iota = lax.iota(jnp.int32, lanes) * jnp.int32(VOCAB)
        for g in range(n_grp):
            tvec = idx_v[pl.ds(g * lanes, lanes)]
            for j in range(lanes):
                k = g * lanes + j
                rows_v[pl.ds(k * EMBED_D, EMBED_D)] = d_iota + tvec[j]
        copies = []
        for s in range(n_idx // 128):
            copies.append(
                pltpu.async_copy(
                    flat_hbm.at[rows_v.at[pl.ds(s * 128, 128)]],
                    vals_v.at[pl.ds(s * 128, 128)],
                    sem,
                )
            )
        for cp in copies:
            cp.wait()
        pltpu.sync_copy(vals_v, out_hbm.at[pl.ds(base * EMBED_D, n_idx)])

    return gather


def _matmul_body(embT_ref, vecT_ref, out_ref):
    lhs = embT_ref[...].astype(jnp.bfloat16)
    rhs = vecT_ref[...].astype(jnp.bfloat16)
    out_ref[...] = lax.dot_general(
        lhs,
        rhs,
        (((0,), (0,)), ((), ())),
        preferred_element_type=jnp.float32,
    )


def _projection_t(embT, vecT):
    grid = (pl.cdiv(VOCAB, V_BLK),)
    return pl.pallas_call(
        _matmul_body,
        grid=grid,
        in_specs=[
            pl.BlockSpec((EMBED_D, V_BLK), lambda i: (0, i)),
            pl.BlockSpec((EMBED_D, BATCH), lambda i: (0, 0)),
        ],
        out_specs=pl.BlockSpec((V_BLK, BATCH), lambda i: (i, 0)),
        out_shape=jax.ShapeDtypeStruct((VOCAB, BATCH), jnp.float32),
    )(embT, vecT)


def kernel(target, embeddings):
    idx = target.astype(jnp.int32)
    embt = embeddings.T
    embed_flat = _build_sc_gather()(embt.reshape(-1), idx)
    embed_t = embed_flat.reshape(BATCH, EMBED_D).T
    logits_t = _projection_t(embt, embed_t)
    return logits_t.T

# --- scband reference (transcript-rebuilt; emitter-appended) ---
"""Pipeline reference for scband-skip-gram-model-28819230556201 (READ-ONLY COPY).

The authoritative reference and input builder live on the scoring server;
editing this copy changes nothing except your own understanding.
"""

import jax, jax.numpy as jnp
import numpy as np

VOCAB_SIZE = 100000
EMBED_DIM = 16
BATCH = 1024


def setup_inputs(seed: int = 0) -> dict:
    key = jax.random.key(seed)
    k_tgt, k_emb = jax.random.split(key, 2)
    target = jax.random.randint(k_tgt, (BATCH,), 0, VOCAB_SIZE, dtype=jnp.int64 if jax.config.jax_enable_x64 else jnp.int32)
    # nn.Embedding default init: N(0, 1)
    embeddings = jax.random.normal(k_emb, (VOCAB_SIZE, EMBED_DIM), dtype=jnp.float32)
    return {"target": target, "embeddings": embeddings}


def reference(target, embeddings):
    # embed = self.embeddings(target)  -> gather rows
    embed = jnp.take(embeddings, target, axis=0)  # [B, D]
    # self.output is nn.Linear(D, V, bias=False) with weight tied to embeddings ([V, D])
    # nn.Linear computes x @ W.T
    logits = embed @ embeddings.T  # [B, V]
    return logits

if __name__ == "__main__":
    import jax
    _d = setup_inputs()
    print(jax.jit(kernel)(*tuple(_d.values())))

</pallas_src>

<mosaic_0001>
#map = affine_map<(d0, d1) -> (0)>
module attributes {stable_mosaic.version = 14 : i64} {
  func.func @gather(%arg0: i32, %arg1: i32, %arg2: memref<1600000xf32, #tpu.memory_space<hbm>>, %arg3: memref<1024xi32, #tpu.memory_space<hbm>>, %arg4: memref<16384xf32, #tpu.memory_space<hbm>>, %arg5: memref<32xi32, #tpu.memory_space<vmem>>, %arg6: memref<512xi32, #tpu.memory_space<vmem>>, %arg7: memref<512xf32, #tpu.memory_space<vmem>>, %arg8: memref<!tpu.dma_semaphore, #tpu.memory_space<semaphore_mem>>) attributes {dimension_semantics = [#tpu.dimension_semantics<core_parallel>, #tpu.dimension_semantics<subcore_parallel>], iteration_bounds = array<i64: 2, 16>, scalar_prefetch = 0 : i64, scratch_operands = 4 : i64, tpu.core_type = #tpu.core_type<sc_vector_subcore>, window_params = [{transform_indices = #map}, {transform_indices = #map}, {transform_indices = #map}]} {
    %mul3A = arith.constant 2 : i32
    %mul3A_0 = arith.muli %arg1, %mul3A : i32
    %add3A = arith.addi %mul3A_0, %arg0 : i32
    %mul3A_1 = arith.constant 32 : i32
    %mul3A_2 = arith.muli %add3A, %mul3A_1 : i32
    "tpu.region"() ({
      %run_scoped3A = tpu.sem_alloc : memref<!tpu.dma_semaphore, #tpu.memory_space<semaphore_mem>>
      %dma_start3A_312 = tpu.memref_slice %arg3[%mul3A_2] : memref<1024xi32, #tpu.memory_space<hbm>> -> memref<32xi32, #tpu.memory_space<hbm>>
      %dma_start3A_313 = tpu.memref_slice %arg3[%mul3A_2] : memref<1024xi32, #tpu.memory_space<hbm>> -> memref<32xi32, #tpu.memory_space<hbm>>
      tpu.enqueue_dma source(%dma_start3A_313 : memref<32xi32, #tpu.memory_space<hbm>>) target(%arg5 : memref<32xi32, #tpu.memory_space<vmem>>) target_semaphore(%run_scoped3A : memref<!tpu.dma_semaphore, #tpu.memory_space<semaphore_mem>>)
      %dma_wait3A_314 = tpu.memref_slice %arg3[%mul3A_2] : memref<1024xi32, #tpu.memory_space<hbm>> -> memref<32xi32, #tpu.memory_space<hbm>>
      %dma_wait3A_315 = tpu.memref_slice %arg3[%mul3A_2] : memref<1024xi32, #tpu.memory_space<hbm>> -> memref<32xi32, #tpu.memory_space<hbm>>
      tpu.wait_dma2 semaphore(%run_scoped3A : memref<!tpu.dma_semaphore, #tpu.memory_space<semaphore_mem>>) src(%dma_wait3A_315 : memref<32xi32, #tpu.memory_space<hbm>>) dst(%arg5 : memref<32xi32, #tpu.memory_space<vmem>>)
      tpu.yield
    }) : () -> ()
    %iota3A = tpu.iota {dimensions = array<i32: 0>} : vector<16xi32>
    %mul3A_3 = arith.constant 100000 : i32
    %mul3A_4 = vector.broadcast %mul3A_3 : i32 to vector<16xi32>
    %mul3A_5 = arith.muli %iota3A, %mul3A_4 : vector<16xi32>
    %get3A = arith.constant 0 : index
    %get3A_6 = tpu.vector_load %arg5[%get3A] {strides = array<i32>} : memref<32xi32, #tpu.memory_space<vmem>>, vector<16xi32>,
    %get3A_7 = vector.shape_cast %get3A_6 : vector<16xi32> to vector<16xi32>
    %slice3A = vector.extract_strided_slice %get3A_7 {offsets = [0], sizes = [1], strides = [1]} : vector<16xi32> to vector<1xi32>
    %squeeze3A = vector.extract %slice3A[0] : i32 from vector<1xi32>
    %add3A_8 = vector.broadcast %squeeze3A : i32 to vector<16xi32>
    %add3A_9 = arith.addi %mul3A_5, %add3A_8 : vector<16xi32>
    %swap3A = arith.constant 0 : index
    %swap3A_10 = tpu.vector_load %arg6[%swap3A] {strides = array<i32>} : memref<512xi32, #tpu.memory_space<vmem>>, vector<16xi32>,
    %swap3A_11 = vector.shape_cast %swap3A_10 : vector<16xi32> to vector<16xi32>
    %swap3A_12 = vector.shape_cast %add3A_9 : vector<16xi32> to vector<16xi32>
    tpu.vector_store %arg6[%swap3A], %swap3A_12 {strides = array<i32>} : memref<512xi32, #tpu.memory_space<vmem>>, vector<16xi32>,
    %slice3A_13 = vector.extract_strided_slice %get3A_7 {offsets = [1], sizes = [1], strides = [1]} : vector<16xi32> to vector<1xi32>
    %squeeze3A_14 = vector.extract %slice3A_13[0] : i32 from vector<1xi32>
    %add3A_15 = vector.broadcast %squeeze3A_14 : i32 to vector<16xi32>
    %add3A_16 = arith.addi %mul3A_5, %add3A_15 : vector<16xi32>
    %swap3A_17 = arith.constant 16 : index
    %swap3A_18 = tpu.vector_load %arg6[%swap3A_17] {strides = array<i32>} : memref<512xi32, #tpu.memory_space<vmem>>, vector<16xi32>,
    %swap3A_19 = vector.shape_cast %swap3A_18 : vector<16xi32> to vector<16xi32>
    %swap3A_20 = vector.shape_cast %add3A_16 : vector<16xi32> to vector<16xi32>
    tpu.vector_store %arg6[%swap3A_17], %swap3A_20 {strides = array<i32>} : memref<512xi32, #tpu.memory_space<vmem>>, vector<16xi32>,
    %slice3A_21 = vector.extract_strided_slice %get3A_7 {offsets = [2], sizes = [1], strides = [1]} : vector<16xi32> to vector<1xi32>
    %squeeze3A_22 = vector.extract %slice3A_21[0] : i32 from vector<1xi32>
    %add3A_23 = vector.broadcast %squeeze3A_22 : i32 to vector<16xi32>
    %add3A_24 = arith.addi %mul3A_5, %add3A_23 : vector<16xi32>
    %swap3A_25 = arith.constant 32 : index
    %swap3A_26 = tpu.vector_load %arg6[%swap3A_25] {strides = array<i32>} : memref<512xi32, #tpu.memory_space<vmem>>, vector<16xi32>,
    %swap3A_27 = vector.shape_cast %swap3A_26 : vector<16xi32> to vector<16xi32>
    %swap3A_28 = vector.shape_cast %add3A_24 : vector<16xi32> to vector<16xi32>
    tpu.vector_store %arg6[%swap3A_25], %swap3A_28 {strides = array<i32>} : memref<512xi32, #tpu.memory_space<vmem>>, vector<16xi32>,
    %slice3A_29 = vector.extract_strided_slice %get3A_7 {offsets = [3], sizes = [1], strides = [1]} : vector<16xi32> to vector<1xi32>
    %squeeze3A_30 = vector.extract %slice3A_29[0] : i32 from vector<1xi32>
    %add3A_31 = vector.broadcast %squeeze3A_30 : i32 to vector<16xi32>
    %add3A_32 = arith.addi %mul3A_5, %add3A_31 : vector<16xi32>
    %swap3A_33 = arith.constant 48 : index
    %swap3A_34 = tpu.vector_load %arg6[%swap3A_33] {strides = array<i32>} : memref<512xi32, #tpu.memory_space<vmem>>, vector<16xi32>,
    %swap3A_35 = vector.shape_cast %swap3A_34 : vector<16xi32> to vector<16xi32>
    %swap3A_36 = vector.shape_cast %add3A_32 : vector<16xi32> to vector<16xi32>
    tpu.vector_store %arg6[%swap3A_33], %swap3A_36 {strides = array<i32>} : memref<512xi32, #tpu.memory_space<vmem>>, vector<16xi32>,
    %slice3A_37 = vector.extract_strided_slice %get3A_7 {offsets = [4], sizes = [1], strides = [1]} : vector<16xi32> to vector<1xi32>
    %squeeze3A_38 = vector.extract %slice3A_37[0] : i32 from vector<1xi32>
    %add3A_39 = vector.broadcast %squeeze3A_38 : i32 to vector<16xi32>
    %add3A_40 = arith.addi %mul3A_5, %add3A_39 : vector<16xi32>
    %swap3A_41 = arith.constant 64 : index
    %swap3A_42 = tpu.vector_load %arg6[%swap3A_41] {strides = array<i32>} : memref<512xi32, #tpu.memory_space<vmem>>, vector<16xi32>,
    %swap3A_43 = vector.shape_cast %swap3A_42 : vector<16xi32> to vector<16xi32>
    %swap3A_44 = vector.shape_cast %add3A_40 : vector<16xi32> to vector<16xi32>
    tpu.vector_store %arg6[%swap3A_41], %swap3A_44 {strides = array<i32>} : memref<512xi32, #tpu.memory_space<vmem>>, vector<16xi32>,
    %slice3A_45 = vector.extract_strided_slice %get3A_7 {offsets = [5], sizes = [1], strides = [1]} : vector<16xi32> to vector<1xi32>
    %squeeze3A_46 = vector.extract %slice3A_45[0] : i32 from vector<1xi32>
    %add3A_47 = vector.broadcast %squeeze3A_46 : i32 to vector<16xi32>
    %add3A_48 = arith.addi %mul3A_5, %add3A_47 : vector<16xi32>
    %swap3A_49 = arith.constant 80 : index
    %swap3A_50 = tpu.vector_load %arg6[%swap3A_49] {strides = array<i32>} : memref<512xi32, #tpu.memory_space<vmem>>, vector<16xi32>,
    %swap3A_51 = vector.shape_cast %swap3A_50 : vector<16xi32> to vector<16xi32>
    %swap3A_52 = vector.shape_cast %add3A_48 : vector<16xi32> to vector<16xi32>
    tpu.vector_store %arg6[%swap3A_49], %swap3A_52 {strides = array<i32>} : memref<512xi32, #tpu.memory_space<vmem>>, vector<16xi32>,
    %slice3A_53 = vector.extract_strided_slice %get3A_7 {offsets = [6], sizes = [1], strides = [1]} : vector<16xi32> to vector<1xi32>
    %squeeze3A_54 = vector.extract %slice3A_53[0] : i32 from vector<1xi32>
    %add3A_55 = vector.broadcast %squeeze3A_54 : i32 to vector<16xi32>
    %add3A_56 = arith.addi %mul3A_5, %add3A_55 : vector<16xi32>
    %swap3A_57 = arith.constant 96 : index
    %swap3A_58 = tpu.vector_load %arg6[%swap3A_57] {strides = array<i32>} : memref<512xi32, #tpu.memory_space<vmem>>, vector<16xi32>,
    %swap3A_59 = vector.shape_cast %swap3A_58 : vector<16xi32> to vector<16xi32>
    %swap3A_60 = vector.shape_cast %add3A_56 : vector<16xi32> to vector<16xi32>
    tpu.vector_store %arg6[%swap3A_57], %swap3A_60 {strides = array<i32>} : memref<512xi32, #tpu.memory_space<vmem>>, vector<16xi32>,
    %slice3A_61 = vector.extract_strided_slice %get3A_7 {offsets = [7], sizes = [1], strides = [1]} : vector<16xi32> to vector<1xi32>
    %squeeze3A_62 = vector.extract %slice3A_61[0] : i32 from vector<1xi32>
    %add3A_63 = vector.broadcast %squeeze3A_62 : i32 to vector<16xi32>
    %add3A_64 = arith.addi %mul3A_5, %add3A_63 : vector<16xi32>
    %swap3A_65 = arith.constant 112 : index
    %swap3A_66 = tpu.vector_load %arg6[%swap3A_65] {strides = array<i32>} : memref<512xi32, #tpu.memory_space<vmem>>, vector<16xi32>,
    %swap3A_67 = vector.shape_cast %swap3A_66 : vector<16xi32> to vector<16xi32>
    %swap3A_68 = vector.shape_cast %add3A_64 : vector<16xi32> to vector<16xi32>
    tpu.vector_store %arg6[%swap3A_65], %swap3A_68 {strides = array<i32>} : memref<512xi32, #tpu.memory_space<vmem>>, vector<16xi32>,
    %slice3A_69 = vector.extract_strided_slice %get3A_7 {offsets = [8], sizes = [1], strides = [1]} : vector<16xi32> to vector<1xi32>
    %squeeze3A_70 = vector.extract %slice3A_69[0] : i32 from vector<1xi32>
    %add3A_71 = vector.broadcast %squeeze3A_70 : i32 to vector<16xi32>
    %add3A_72 = arith.addi %mul3A_5, %add3A_71 : vector<16xi32>
    %swap3A_73 = arith.constant 128 : index
    %swap3A_74 = tpu.vector_load %arg6[%swap3A_73] {strides = array<i32>} : memref<512xi32, #tpu.memory_space<vmem>>, vector<16xi32>,
    %swap3A_75 = vector.shape_cast %swap3A_74 : vector<16xi32> to vector<16xi32>
    %swap3A_76 = vector.shape_cast %add3A_72 : vector<16xi32> to vector<16xi32>
    tpu.vector_store %arg6[%swap3A_73], %swap3A_76 {strides = array<i32>} : memref<512xi32, #tpu.memory_space<vmem>>, vector<16xi32>,
    %slice3A_77 = vector.extract_strided_slice %get3A_7 {offsets = [9], sizes = [1], strides = [1]} : vector<16xi32> to vector<1xi32>
    %squeeze3A_78 = vector.extract %slice3A_77[0] : i32 from vector<1xi32>
    %add3A_79 = vector.broadcast %squeeze3A_78 : i32 to vector<16xi32>
    %add3A_80 = arith.addi %mul3A_5, %add3A_79 : vector<16xi32>
    %swap3A_81 = arith.constant 144 : index
    %swap3A_82 = tpu.vector_load %arg6[%swap3A_81] {strides = array<i32>} : memref<512xi32, #tpu.memory_space<vmem>>, vector<16xi32>,
    %swap3A_83 = vector.shape_cast %swap3A_82 : vector<16xi32> to vector<16xi32>
    %swap3A_84 = vector.shape_cast %add3A_80 : vector<16xi32> to vector<16xi32>
    tpu.vector_store %arg6[%swap3A_81], %swap3A_84 {strides = array<i32>} : memref<512xi32, #tpu.memory_space<vmem>>, vector<16xi32>,
    %slice3A_85 = vector.extract_strided_slice %get3A_7 {offsets = [10], sizes = [1], strides = [1]} : vector<16xi32> to vector<1xi32>
    %squeeze3A_86 = vector.extract %slice3A_85[0] : i32 from vector<1xi32>
    %add3A_87 = vector.broadcast %squeeze3A_86 : i32 to vector<16xi32>
    %add3A_88 = arith.addi %mul3A_5, %add3A_87 : vector<16xi32>
    %swap3A_89 = arith.constant 160 : index
    %swap3A_90 = tpu.vector_load %arg6[%swap3A_89] {strides = array<i32>} : memref<512xi32, #tpu.memory_space<vmem>>, vector<16xi32>,
    %swap3A_91 = vector.shape_cast %swap3A_90 : vector<16xi32> to vector<16xi32>
    %swap3A_92 = vector.shape_cast %add3A_88 : vector<16xi32> to vector<16xi32>
    tpu.vector_store %arg6[%swap3A_89], %swap3A_92 {strides = array<i32>} : memref<512xi32, #tpu.memory_space<vmem>>, vector<16xi32>,
    %slice3A_93 = vector.extract_strided_slice %get3A_7 {offsets = [11], sizes = [1], strides = [1]} : vector<16xi32> to vector<1xi32>
    %squeeze3A_94 = vector.extract %slice3A_93[0] : i32 from vector<1xi32>
    %add3A_95 = vector.broadcast %squeeze3A_94 : i32 to vector<16xi32>
    %add3A_96 = arith.addi %mul3A_5, %add3A_95 : vector<16xi32>
    %swap3A_97 = arith.constant 176 : index
    %swap3A_98 = tpu.vector_load %arg6[%swap3A_97] {strides = array<i32>} : memref<512xi32, #tpu.memory_space<vmem>>, vector<16xi32>,
    %swap3A_99 = vector.shape_cast %swap3A_98 : vector<16xi32> to vector<16xi32>
    %swap3A_100 = vector.shape_cast %add3A_96 : vector<16xi32> to vector<16xi32>
    tpu.vector_store %arg6[%swap3A_97], %swap3A_100 {strides = array<i32>} : memref<512xi32, #tpu.memory_space<vmem>>, vector<16xi32>,
    %slice3A_101 = vector.extract_strided_slice %get3A_7 {offsets = [12], sizes = [1], strides = [1]} : vector<16xi32> to vector<1xi32>
    %squeeze3A_102 = vector.extract %slice3A_101[0] : i32 from vector<1xi32>
    %add3A_103 = vector.broadcast %squeeze3A_102 : i32 to vector<16xi32>
    %add3A_104 = arith.addi %mul3A_5, %add3A_103 : vector<16xi32>
    %swap3A_105 = arith.constant 192 : index
    %swap3A_106 = tpu.vector_load %arg6[%swap3A_105] {strides = array<i32>} : memref<512xi32, #tpu.memory_space<vmem>>, vector<16xi32>,
    %swap3A_107 = vector.shape_cast %swap3A_106 : vector<16xi32> to vector<16xi32>
    %swap3A_108 = vector.shape_cast %add3A_104 : vector<16xi32> to vector<16xi32>
    tpu.vector_store %arg6[%swap3A_105], %swap3A_108 {strides = array<i32>} : memref<512xi32, #tpu.memory_space<vmem>>, vector<16xi32>,
    %slice3A_109 = vector.extract_strided_slice %get3A_7 {offsets = [13], sizes = [1], strides = [1]} : vector<16xi32> to vector<1xi32>
    %squeeze3A_110 = vector.extract %slice3A_109[0] : i32 from vector<1xi32>
    %add3A_111 = vector.broadcast %squeeze3A_110 : i32 to vector<16xi32>
    %add3A_112 = arith.addi %mul3A_5, %add3A_111 : vector<16xi32>
    %swap3A_113 = arith.constant 208 : index
    %swap3A_114 = tpu.vector_load %arg6[%swap3A_113] {strides = array<i32>} : memref<512xi32, #tpu.memory_space<vmem>>, vector<16xi32>,
    %swap3A_115 = vector.shape_cast %swap3A_114 : vector<16xi32> to vector<16xi32>
    %swap3A_116 = vector.shape_cast %add3A_112 : vector<16xi32> to vector<16xi32>
    tpu.vector_store %arg6[%swap3A_113], %swap3A_116 {strides = array<i32>} : memref<512xi32, #tpu.memory_space<vmem>>, vector<16xi32>,
    %slice3A_117 = vector.extract_strided_slice %get3A_7 {offsets = [14], sizes = [1], strides = [1]} : vector<16xi32> to vector<1xi32>
    %squeeze3A_118 = vector.extract %slice3A_117[0] : i32 from vector<1xi32>
    %add3A_119 = vector.broadcast %squeeze3A_118 : i32 to vector<16xi32>
    %add3A_120 = arith.addi %mul3A_5, %add3A_119 : vector<16xi32>
    %swap3A_121 = arith.constant 224 : index
    %swap3A_122 = tpu.vector_load %arg6[%swap3A_121] {strides = array<i32>} : memref<512xi32, #tpu.memory_space<vmem>>, vector<16xi32>,
    %swap3A_123 = vector.shape_cast %swap3A_122 : vector<16xi32> to vector<16xi32>
    %swap3A_124 = vector.shape_cast %add3A_120 : vector<16xi32> to vector<16xi32>
    tpu.vector_store %arg6[%swap3A_121], %swap3A_124 {strides = array<i32>} : memref<512xi32, #tpu.memory_space<vmem>>, vector<16xi32>,
    %slice3A_125 = vector.extract_strided_slice %get3A_7 {offsets = [15], sizes = [1], strides = [1]} : vector<16xi32> to vector<1xi32>
    %squeeze3A_126 = vector.extract %slice3A_125[0] : i32 from vector<1xi32>
    %add3A_127 = vector.broadcast %squeeze3A_126 : i32 to vector<16xi32>
    %add3A_128 = arith.addi %mul3A_5, %add3A_127 : vector<16xi32>
    %swap3A_129 = arith.constant 240 : index
    %swap3A_130 = tpu.vector_load %arg6[%swap3A_129] {strides = array<i32>} : memref<512xi32, #tpu.memory_space<vmem>>, vector<16xi32>,
    %swap3A_131 = vector.shape_cast %swap3A_130 : vector<16xi32> to vector<16xi32>
    %swap3A_132 = vector.shape_cast %add3A_128 : vector<16xi32> to vector<16xi32>
    tpu.vector_store %arg6[%swap3A_129], %swap3A_132 {strides = array<i32>} : memref<512xi32, #tpu.memory_space<vmem>>, vector<16xi32>,
    %get3A_133 = arith.constant 16 : index
    %get3A_134 = tpu.vector_load %arg5[%get3A_133] {strides = array<i32>} : memref<32xi32, #tpu.memory_space<vmem>>, vector<16xi32>,
    %get3A_135 = vector.shape_cast %get3A_134 : vector<16xi32> to vector<16xi32>
    %slice3A_136 = vector.extract_strided_slice %get3A_135 {offsets = [0], sizes = [1], strides = [1]} : vector<16xi32> to vector<1xi32>
    %squeeze3A_137 = vector.extract %slice3A_136[0] : i32 from vector<1xi32>
    %add3A_138 = vector.broadcast %squeeze3A_137 : i32 to vector<16xi32>
    %add3A_139 = arith.addi %mul3A_5, %add3A_138 : vector<16xi32>
    %swap3A_140 = arith.constant 256 : index
    %swap3A_141 = tpu.vector_load %arg6[%swap3A_140] {strides = array<i32>} : memref<512xi32, #tpu.memory_space<vmem>>, vector<16xi32>,
    %swap3A_142 = vector.shape_cast %swap3A_141 : vector<16xi32> to vector<16xi32>
    %swap3A_143 = vector.shape_cast %add3A_139 : vector<16xi32> to vector<16xi32>
    tpu.vector_store %arg6[%swap3A_140], %swap3A_143 {strides = array<i32>} : memref<512xi32, #tpu.memory_space<vmem>>, vector<16xi32>,
    %slice3A_144 = vector.extract_strided_slice %get3A_135 {offsets = [1], sizes = [1], strides = [1]} : vector<16xi32> to vector<1xi32>
    %squeeze3A_145 = vector.extract %slice3A_144[0] : i32 from vector<1xi32>
    %add3A_146 = vector.broadcast %squeeze3A_145 : i32 to vector<16xi32>
    %add3A_147 = arith.addi %mul3A_5, %add3A_146 : vector<16xi32>
    %swap3A_148 = arith.constant 272 : index
    %swap3A_149 = tpu.vector_load %arg6[%swap3A_148] {strides = array<i32>} : memref<512xi32, #tpu.memory_space<vmem>>, vector<16xi32>,
    %swap3A_150 = vector.shape_cast %swap3A_149 : vector<16xi32> to vector<16xi32>
    %swap3A_151 = vector.shape_cast %add3A_147 : vector<16xi32> to vector<16xi32>
    tpu.vector_store %arg6[%swap3A_148], %swap3A_151 {strides = array<i32>} : memref<512xi32, #tpu.memory_space<vmem>>, vector<16xi32>,
    %slice3A_152 = vector.extract_strided_slice %get3A_135 {offsets = [2], sizes = [1], strides = [1]} : vector<16xi32> to vector<1xi32>
    %squeeze3A_153 = vector.extract %slice3A_152[0] : i32 from vector<1xi32>
    %add3A_154 = vector.broadcast %squeeze3A_153 : i32 to vector<16xi32>
    %add3A_155 = arith.addi %mul3A_5, %add3A_154 : vector<16xi32>
    %swap3A_156 = arith.constant 288 : index
    %swap3A_157 = tpu.vector_load %arg6[%swap3A_156] {strides = array<i32>} : memref<512xi32, #tpu.memory_space<vmem>>, vector<16xi32>,
    %swap3A_158 = vector.shape_cast %swap3A_157 : vector<16xi32> to vector<16xi32>
    %swap3A_159 = vector.shape_cast %add3A_155 : vector<16xi32> to vector<16xi32>
    tpu.vector_store %arg6[%swap3A_156], %swap3A_159 {strides = array<i32>} : memref<512xi32, #tpu.memory_space<vmem>>, vector<16xi32>,
    %slice3A_160 = vector.extract_strided_slice %get3A_135 {offsets = [3], sizes = [1], strides = [1]} : vector<16xi32> to vector<1xi32>
    %squeeze3A_161 = vector.extract %slice3A_160[0] : i32 from vector<1xi32>
    %add3A_162 = vector.broadcast %squeeze3A_161 : i32 to vector<16xi32>
    %add3A_163 = arith.addi %mul3A_5, %add3A_162 : vector<16xi32>
    %swap3A_164 = arith.constant 304 : index
    %swap3A_165 = tpu.vector_load %arg6[%swap3A_164] {strides = array<i32>} : memref<512xi32, #tpu.memory_space<vmem>>, vector<16xi32>,
    %swap3A_166 = vector.shape_cast %swap3A_165 : vector<16xi32> to vector<16xi32>
    %swap3A_167 = vector.shape_cast %add3A_163 : vector<16xi32> to vector<16xi32>
    tpu.vector_store %arg6[%swap3A_164], %swap3A_167 {strides = array<i32>} : memref<512xi32, #tpu.memory_space<vmem>>, vector<16xi32>,
    %slice3A_168 = vector.extract_strided_slice %get3A_135 {offsets = [4], sizes = [1], strides = [1]} : vector<16xi32> to vector<1xi32>
    %squeeze3A_169 = vector.extract %slice3A_168[0] : i32 from vector<1xi32>
    %add3A_170 = vector.broadcast %squeeze3A_169 : i32 to vector<16xi32>
    %add3A_171 = arith.addi %mul3A_5, %add3A_170 : vector<16xi32>
    %swap3A_172 = arith.constant 320 : index
    %swap3A_173 = tpu.vector_load %arg6[%swap3A_172] {strides = array<i32>} : memref<512xi32, #tpu.memory_space<vmem>>, vector<16xi32>,
    %swap3A_174 = vector.shape_cast %swap3A_173 : vector<16xi32> to vector<16xi32>
    %swap3A_175 = vector.shape_cast %add3A_171 : vector<16xi32> to vector<16xi32>
    tpu.vector_store %arg6[%swap3A_172], %swap3A_175 {strides = array<i32>} : memref<512xi32, #tpu.memory_space<vmem>>, vector<16xi32>,
    %slice3A_176 = vector.extract_strided_slice %get3A_135 {offsets = [5], sizes = [1], strides = [1]} : vector<16xi32> to vector<1xi32>
    %squeeze3A_177 = vector.extract %slice3A_176[0] : i32 from vector<1xi32>
    %add3A_178 = vector.broadcast %squeeze3A_177 : i32 to vector<16xi32>
    %add3A_179 = arith.addi %mul3A_5, %add3A_178 : vector<16xi32>
    %swap3A_180 = arith.constant 336 : index
    %swap3A_181 = tpu.vector_load %arg6[%swap3A_180] {strides = array<i32>} : memref<512xi32, #tpu.memory_space<vmem>>, vector<16xi32>,
    %swap3A_182 = vector.shape_cast %swap3A_181 : vector<16xi32> to vector<16xi32>
    %swap3A_183 = vector.shape_cast %add3A_179 : vector<16xi32> to vector<16xi32>
    tpu.vector_store %arg6[%swap3A_180], %swap3A_183 {strides = array<i32>} : memref<512xi32, #tpu.memory_space<vmem>>, vector<16xi32>,
    %slice3A_184 = vector.extract_strided_slice %get3A_135 {offsets = [6], sizes = [1], strides = [1]} : vector<16xi32> to vector<1xi32>
    %squeeze3A_185 = vector.extract %slice3A_184[0] : i32 from vector<1xi32>
    %add3A_186 = vector.broadcast %squeeze3A_185 : i32 to vector<16xi32>
    %add3A_187 = arith.addi %mul3A_5, %add3A_186 : vector<16xi32>
    %swap3A_188 = arith.constant 352 : index
    %swap3A_189 = tpu.vector_load %arg6[%swap3A_188] {strides = array<i32>} : memref<512xi32, #tpu.memory_space<vmem>>, vector<16xi32>,
    %swap3A_190 = vector.shape_cast %swap3A_189 : vector<16xi32> to vector<16xi32>
    %swap3A_191 = vector.shape_cast %add3A_187 : vector<16xi32> to vector<16xi32>
    tpu.vector_store %arg6[%swap3A_188], %swap3A_191 {strides = array<i32>} : memref<512xi32, #tpu.memory_space<vmem>>, vector<16xi32>,
    %slice3A_192 = vector.extract_strided_slice %get3A_135 {offsets = [7], sizes = [1], strides = [1]} : vector<16xi32> to vector<1xi32>
    %squeeze3A_193 = vector.extract %slice3A_192[0] : i32 from vector<1xi32>
    %add3A_194 = vector.broadcast %squeeze3A_193 : i32 to vector<16xi32>
    %add3A_195 = arith.addi %mul3A_5, %add3A_194 : vector<16xi32>
    %swap3A_196 = arith.constant 368 : index
    %swap3A_197 = tpu.vector_load %arg6[%swap3A_196] {strides = array<i32>} : memref<512xi32, #tpu.memory_space<vmem>>, vector<16xi32>,
    %swap3A_198 = vector.shape_cast %swap3A_197 : vector<16xi32> to vector<16xi32>
    %swap3A_199 = vector.shape_cast %add3A_195 : vector<16xi32> to vector<16xi32>
    tpu.vector_store %arg6[%swap3A_196], %swap3A_199 {strides = array<i32>} : memref<512xi32, #tpu.memory_space<vmem>>, vector<16xi32>,
    %slice3A_200 = vector.extract_strided_slice %get3A_135 {offsets = [8], sizes = [1], strides = [1]} : vector<16xi32> to vector<1xi32>
    %squeeze3A_201 = vector.extract %slice3A_200[0] : i32 from vector<1xi32>
    %add3A_202 = vector.broadcast %squeeze3A_201 : i32 to vector<16xi32>
    %add3A_203 = arith.addi %mul3A_5, %add3A_202 : vector<16xi32>
    %swap3A_204 = arith.constant 384 : index
    %swap3A_205 = tpu.vector_load %arg6[%swap3A_204] {strides = array<i32>} : memref<512xi32, #tpu.memory_space<vmem>>, vector<16xi32>,
    %swap3A_206 = vector.shape_cast %swap3A_205 : vector<16xi32> to vector<16xi32>
    %swap3A_207 = vector.shape_cast %add3A_203 : vector<16xi32> to vector<16xi32>
    tpu.vector_store %arg6[%swap3A_204], %swap3A_207 {strides = array<i32>} : memref<512xi32, #tpu.memory_space<vmem>>, vector<16xi32>,
    %slice3A_208 = vector.extract_strided_slice %get3A_135 {offsets = [9], sizes = [1], strides = [1]} : vector<16xi32> to vector<1xi32>
    %squeeze3A_209 = vector.extract %slice3A_208[0] : i32 from vector<1xi32>
    %add3A_210 = vector.broadcast %squeeze3A_209 : i32 to vector<16xi32>
    %add3A_211 = arith.addi %mul3A_5, %add3A_210 : vector<16xi32>
    %swap3A_212 = arith.constant 400 : index
    %swap3A_213 = tpu.vector_load %arg6[%swap3A_212] {strides = array<i32>} : memref<512xi32, #tpu.memory_space<vmem>>, vector<16xi32>,
    %swap3A_214 = vector.shape_cast %swap3A_213 : vector<16xi32> to vector<16xi32>
    %swap3A_215 = vector.shape_cast %add3A_211 : vector<16xi32> to vector<16xi32>
    tpu.vector_store %arg6[%swap3A_212], %swap3A_215 {strides = array<i32>} : memref<512xi32, #tpu.memory_space<vmem>>, vector<16xi32>,
    %slice3A_216 = vector.extract_strided_slice %get3A_135 {offsets = [10], sizes = [1], strides = [1]} : vector<16xi32> to vector<1xi32>
    %squeeze3A_217 = vector.extract %slice3A_216[0] : i32 from vector<1xi32>
    %add3A_218 = vector.broadcast %squeeze3A_217 : i32 to vector<16xi32>
    %add3A_219 = arith.addi %mul3A_5, %add3A_218 : vector<16xi32>
    %swap3A_220 = arith.constant 416 : index
    %swap3A_221 = tpu.vector_load %arg6[%swap3A_220] {strides = array<i32>} : memref<512xi32, #tpu.memory_space<vmem>>, vector<16xi32>,
    %swap3A_222 = vector.shape_cast %swap3A_221 : vector<16xi32> to vector<16xi32>
    %swap3A_223 = vector.shape_cast %add3A_219 : vector<16xi32> to vector<16xi32>
    tpu.vector_store %arg6[%swap3A_220], %swap3A_223 {strides = array<i32>} : memref<512xi32, #tpu.memory_space<vmem>>, vector<16xi32>,
    %slice3A_224 = vector.extract_strided_slice %get3A_135 {offsets = [11], sizes = [1], strides = [1]} : vector<16xi32> to vector<1xi32>
    %squeeze3A_225 = vector.extract %slice3A_224[0] : i32 from vector<1xi32>
    %add3A_226 = vector.broadcast %squeeze3A_225 : i32 to vector<16xi32>
    %add3A_227 = arith.addi %mul3A_5, %add3A_226 : vector<16xi32>
    %swap3A_228 = arith.constant 432 : index
    %swap3A_229 = tpu.vector_load %arg6[%swap3A_228] {strides = array<i32>} : memref<512xi32, #tpu.memory_space<vmem>>, vector<16xi32>,
    %swap3A_230 = vector.shape_cast %swap3A_229 : vector<16xi32> to vector<16xi32>
    %swap3A_231 = vector.shape_cast %add3A_227 : vector<16xi32> to vector<16xi32>
    tpu.vector_store %arg6[%swap3A_228], %swap3A_231 {strides = array<i32>} : memref<512xi32, #tpu.memory_space<vmem>>, vector<16xi32>,
    %slice3A_232 = vector.extract_strided_slice %get3A_135 {offsets = [12], sizes = [1], strides = [1]} : vector<16xi32> to vector<1xi32>
    %squeeze3A_233 = vector.extract %slice3A_232[0] : i32 from vector<1xi32>
    %add3A_234 = vector.broadcast %squeeze3A_233 : i32 to vector<16xi32>
    %add3A_235 = arith.addi %mul3A_5, %add3A_234 : vector<16xi32>
    %swap3A_236 = arith.constant 448 : index
    %swap3A_237 = tpu.vector_load %arg6[%swap3A_236] {strides = array<i32>} : memref<512xi32, #tpu.memory_space<vmem>>, vector<16xi32>,
    %swap3A_238 = vector.shape_cast %swap3A_237 : vector<16xi32> to vector<16xi32>
    %swap3A_239 = vector.shape_cast %add3A_235 : vector<16xi32> to vector<16xi32>
    tpu.vector_store %arg6[%swap3A_236], %swap3A_239 {strides = array<i32>} : memref<512xi32, #tpu.memory_space<vmem>>, vector<16xi32>,
    %slice3A_240 = vector.extract_strided_slice %get3A_135 {offsets = [13], sizes = [1], strides = [1]} : vector<16xi32> to vector<1xi32>
    %squeeze3A_241 = vector.extract %slice3A_240[0] : i32 from vector<1xi32>
    %add3A_242 = vector.broadcast %squeeze3A_241 : i32 to vector<16xi32>
    %add3A_243 = arith.addi %mul3A_5, %add3A_242 : vector<16xi32>
    %swap3A_244 = arith.constant 464 : index
    %swap3A_245 = tpu.vector_load %arg6[%swap3A_244] {strides = array<i32>} : memref<512xi32, #tpu.memory_space<vmem>>, vector<16xi32>,
    %swap3A_246 = vector.shape_cast %swap3A_245 : vector<16xi32> to vector<16xi32>
    %swap3A_247 = vector.shape_cast %add3A_243 : vector<16xi32> to vector<16xi32>
    tpu.vector_store %arg6[%swap3A_244], %swap3A_247 {strides = array<i32>} : memref<512xi32, #tpu.memory_space<vmem>>, vector<16xi32>,
    %slice3A_248 = vector.extract_strided_slice %get3A_135 {offsets = [14], sizes = [1], strides = [1]} : vector<16xi32> to vector<1xi32>
    %squeeze3A_249 = vector.extract %slice3A_248[0] : i32 from vector<1xi32>
    %add3A_250 = vector.broadcast %squeeze3A_249 : i32 to vector<16xi32>
    %add3A_251 = arith.addi %mul3A_5, %add3A_250 : vector<16xi32>
    %swap3A_252 = arith.constant 480 : index
    %swap3A_253 = tpu.vector_load %arg6[%swap3A_252] {strides = array<i32>} : memref<512xi32, #tpu.memory_space<vmem>>, vector<16xi32>,
    %swap3A_254 = vector.shape_cast %swap3A_253 : vector<16xi32> to vector<16xi32>
    %swap3A_255 = vector.shape_cast %add3A_251 : vector<16xi32> to vector<16xi32>
    tpu.vector_store %arg6[%swap3A_252], %swap3A_255 {strides = array<i32>} : memref<512xi32, #tpu.memory_space<vmem>>, vector<16xi32>,
    %slice3A_256 = vector.extract_strided_slice %get3A_135 {offsets = [15], sizes = [1], strides = [1]} : vector<16xi32> to vector<1xi32>
    %squeeze3A_257 = vector.extract %slice3A_256[0] : i32 from vector<1xi32>
    %add3A_258 = vector.broadcast %squeeze3A_257 : i32 to vector<16xi32>
    %add3A_259 = arith.addi %mul3A_5, %add3A_258 : vector<16xi32>
    %swap3A_260 = arith.constant 496 : index
    %swap3A_261 = tpu.vector_load %arg6[%swap3A_260] {strides = array<i32>} : memref<512xi32, #tpu.memory_space<vmem>>, vector<16xi32>,
    %swap3A_262 = vector.shape_cast %swap3A_261 : vector<16xi32> to vector<16xi32>
    %swap3A_263 = vector.shape_cast %add3A_259 : vector<16xi32> to vector<16xi32>
    tpu.vector_store %arg6[%swap3A_260], %swap3A_263 {strides = array<i32>} : memref<512xi32, #tpu.memory_space<vmem>>, vector<16xi32>,
    %dma_start3A = arith.constant 0 : i32
    %dma_start3A_264 = tpu.memref_slice %arg7[%dma_start3A] : memref<512xf32, #tpu.memory_space<vmem>> -> memref<128xf32, #tpu.memory_space<vmem>>
    %dma_start3A_265 = arith.constant 0 : i32
    %dma_start3A_266 = tpu.memref_slice %arg6[%dma_start3A_265] : memref<512xi32, #tpu.memory_space<vmem>> -> memref<128xi32, #tpu.memory_space<vmem>>
    %dma_start3A_267 = arith.constant 0 : i32
    %dma_start3A_268 = tpu.memref_slice %arg2[%dma_start3A_267] : memref<1600000xf32, #tpu.memory_space<hbm>> -> memref<1600000xf32, #tpu.memory_space<hbm>>
    tpu.enqueue_indirect_dma source(%dma_start3A_268 : memref<1600000xf32, #tpu.memory_space<hbm>>) target(%dma_start3A_264 : memref<128xf32, #tpu.memory_space<vmem>>) offsets(%dma_start3A_266 : memref<128xi32, #tpu.memory_space<vmem>>) semaphore(%arg8 : memref<!tpu.dma_semaphore, #tpu.memory_space<semaphore_mem>>)
    %dma_start3A_269 = arith.constant 128 : i32
    %dma_start3A_270 = tpu.memref_slice %arg7[%dma_start3A_269] : memref<512xf32, #tpu.memory_space<vmem>> -> memref<128xf32, #tpu.memory_space<vmem>>
    %dma_start3A_271 = arith.constant 128 : i32
    %dma_start3A_272 = tpu.memref_slice %arg6[%dma_start3A_271] : memref<512xi32, #tpu.memory_space<vmem>> -> memref<128xi32, #tpu.memory_space<vmem>>
    %dma_start3A_273 = arith.constant 0 : i32
    %dma_start3A_274 = tpu.memref_slice %arg2[%dma_start3A_273] : memref<1600000xf32, #tpu.memory_space<hbm>> -> memref<1600000xf32, #tpu.memory_space<hbm>>
    tpu.enqueue_indirect_dma source(%dma_start3A_274 : memref<1600000xf32, #tpu.memory_space<hbm>>) target(%dma_start3A_270 : memref<128xf32, #tpu.memory_space<vmem>>) offsets(%dma_start3A_272 : memref<128xi32, #tpu.memory_space<vmem>>) semaphore(%arg8 : memref<!tpu.dma_semaphore, #tpu.memory_space<semaphore_mem>>)
    %dma_start3A_275 = arith.constant 256 : i32
    %dma_start3A_276 = tpu.memref_slice %arg7[%dma_start3A_275] : memref<512xf32, #tpu.memory_space<vmem>> -> memref<128xf32, #tpu.memory_space<vmem>>
    %dma_start3A_277 = arith.constant 256 : i32
    %dma_start3A_278 = tpu.memref_slice %arg6[%dma_start3A_277] : memref<512xi32, #tpu.memory_space<vmem>> -> memref<128xi32, #tpu.memory_space<vmem>>
    %dma_start3A_279 = arith.constant 0 : i32
    %dma_start3A_280 = tpu.memref_slice %arg2[%dma_start3A_279] : memref<1600000xf32, #tpu.memory_space<hbm>> -> memref<1600000xf32, #tpu.memory_space<hbm>>
    tpu.enqueue_indirect_dma source(%dma_start3A_280 : memref<1600000xf32, #tpu.memory_space<hbm>>) target(%dma_start3A_276 : memref<128xf32, #tpu.memory_space<vmem>>) offsets(%dma_start3A_278 : memref<128xi32, #tpu.memory_space<vmem>>) semaphore(%arg8 : memref<!tpu.dma_semaphore, #tpu.memory_space<semaphore_mem>>)
    %dma_start3A_281 = arith.constant 384 : i32
    %dma_start3A_282 = tpu.memref_slice %arg7[%dma_start3A_281] : memref<512xf32, #tpu.memory_space<vmem>> -> memref<128xf32, #tpu.memory_space<vmem>>
    %dma_start3A_283 = arith.constant 384 : i32
    %dma_start3A_284 = tpu.memref_slice %arg6[%dma_start3A_283] : memref<512xi32, #tpu.memory_space<vmem>> -> memref<128xi32, #tpu.memory_space<vmem>>
    %dma_start3A_285 = arith.constant 0 : i32
    %dma_start3A_286 = tpu.memref_slice %arg2[%dma_start3A_285] : memref<1600000xf32, #tpu.memory_space<hbm>> -> memref<1600000xf32, #tpu.memory_space<hbm>>
    tpu.enqueue_indirect_dma source(%dma_start3A_286 : memref<1600000xf32, #tpu.memory_space<hbm>>) target(%dma_start3A_282 : memref<128xf32, #tpu.memory_space<vmem>>) offsets(%dma_start3A_284 : memref<128xi32, #tpu.memory_space<vmem>>) semaphore(%arg8 : memref<!tpu.dma_semaphore, #tpu.memory_space<semaphore_mem>>)
    %dma_wait3A = arith.constant 0 : i32
    %dma_wait3A_287 = tpu.memref_slice %arg7[%dma_wait3A] : memref<512xf32, #tpu.memory_space<vmem>> -> memref<128xf32, #tpu.memory_space<vmem>>
    %dma_wait3A_288 = arith.constant 0 : i32
    %dma_wait3A_289 = tpu.memref_slice %arg6[%dma_wait3A_288] : memref<512xi32, #tpu.memory_space<vmem>> -> memref<128xi32, #tpu.memory_space<vmem>>
    %dma_wait3A_290 = arith.constant 0 : i32
    %dma_wait3A_291 = tpu.memref_slice %arg2[%dma_wait3A_290] : memref<1600000xf32, #tpu.memory_space<hbm>> -> memref<1600000xf32, #tpu.memory_space<hbm>>
    tpu.wait_indirect_dma semaphore(%arg8 : memref<!tpu.dma_semaphore, #tpu.memory_space<semaphore_mem>>) src(%dma_wait3A_291 : memref<1600000xf32, #tpu.memory_space<hbm>>) dst(%dma_wait3A_287 : memref<128xf32, #tpu.memory_space<vmem>>)
    %dma_wait3A_292 = arith.constant 128 : i32
    %dma_wait3A_293 = tpu.memref_slice %arg7[%dma_wait3A_292] : memref<512xf32, #tpu.memory_space<vmem>> -> memref<128xf32, #tpu.memory_space<vmem>>
    %dma_wait3A_294 = arith.constant 128 : i32
    %dma_wait3A_295 = tpu.memref_slice %arg6[%dma_wait3A_294] : memref<512xi32, #tpu.memory_space<vmem>> -> memref<128xi32, #tpu.memory_space<vmem>>
    %dma_wait3A_296 = arith.constant 0 : i32
    %dma_wait3A_297 = tpu.memref_slice %arg2[%dma_wait3A_296] : memref<1600000xf32, #tpu.memory_space<hbm>> -> memref<1600000xf32, #tpu.memory_space<hbm>>
    tpu.wait_indirect_dma semaphore(%arg8 : memref<!tpu.dma_semaphore, #tpu.memory_space<semaphore_mem>>) src(%dma_wait3A_297 : memref<1600000xf32, #tpu.memory_space<hbm>>) dst(%dma_wait3A_293 : memref<128xf32, #tpu.memory_space<vmem>>)
    %dma_wait3A_298 = arith.constant 256 : i32
    %dma_wait3A_299 = tpu.memref_slice %arg7[%dma_wait3A_298] : memref<512xf32, #tpu.memory_space<vmem>> -> memref<128xf32, #tpu.memory_space<vmem>>
    %dma_wait3A_300 = arith.constant 256 : i32
    %dma_wait3A_301 = tpu.memref_slice %arg6[%dma_wait3A_300] : memref<512xi32, #tpu.memory_space<vmem>> -> memref<128xi32, #tpu.memory_space<vmem>>
    %dma_wait3A_302 = arith.constant 0 : i32
    %dma_wait3A_303 = tpu.memref_slice %arg2[%dma_wait3A_302] : memref<1600000xf32, #tpu.memory_space<hbm>> -> memref<1600000xf32, #tpu.memory_space<hbm>>
    tpu.wait_indirect_dma semaphore(%arg8 : memref<!tpu.dma_semaphore, #tpu.memory_space<semaphore_mem>>) src(%dma_wait3A_303 : memref<1600000xf32, #tpu.memory_space<hbm>>) dst(%dma_wait3A_299 : memref<128xf32, #tpu.memory_space<vmem>>)
    %dma_wait3A_304 = arith.constant 384 : i32
    %dma_wait3A_305 = tpu.memref_slice %arg7[%dma_wait3A_304] : memref<512xf32, #tpu.memory_space<vmem>> -> memref<128xf32, #tpu.memory_space<vmem>>
    %dma_wait3A_306 = arith.constant 384 : i32
    %dma_wait3A_307 = tpu.memref_slice %arg6[%dma_wait3A_306] : memref<512xi32, #tpu.memory_space<vmem>> -> memref<128xi32, #tpu.memory_space<vmem>>
    %dma_wait3A_308 = arith.constant 0 : i32
    %dma_wait3A_309 = tpu.memref_slice %arg2[%dma_wait3A_308] : memref<1600000xf32, #tpu.memory_space<hbm>> -> memref<1600000xf32, #tpu.memory_space<hbm>>
    tpu.wait_indirect_dma semaphore(%arg8 : memref<!tpu.dma_semaphore, #tpu.memory_space<semaphore_mem>>) src(%dma_wait3A_309 : memref<1600000xf32, #tpu.memory_space<hbm>>) dst(%dma_wait3A_305 : memref<128xf32, #tpu.memory_space<vmem>>)
    %mul3A_310 = arith.constant 16 : i32
    %mul3A_311 = arith.muli %mul3A_2, %mul3A_310 : i32
    "tpu.region"() ({
      %run_scoped3A = tpu.sem_alloc : memref<!tpu.dma_semaphore, #tpu.memory_space<semaphore_mem>>
      %dma_start3A_312 = tpu.memref_slice %arg4[%mul3A_311] : memref<16384xf32, #tpu.memory_space<hbm>> -> memref<512xf32, #tpu.memory_space<hbm>>
      %dma_start3A_313 = tpu.memref_slice %arg4[%mul3A_311] : memref<16384xf32, #tpu.memory_space<hbm>> -> memref<512xf32, #tpu.memory_space<hbm>>
      tpu.enqueue_dma source(%arg7 : memref<512xf32, #tpu.memory_space<vmem>>) target(%dma_start3A_313 : memref<512xf32, #tpu.memory_space<hbm>>) target_semaphore(%run_scoped3A : memref<!tpu.dma_semaphore, #tpu.memory_space<semaphore_mem>>)
      %dma_wait3A_314 = tpu.memref_slice %arg4[%mul3A_311] : memref<16384xf32, #tpu.memory_space<hbm>> -> memref<512xf32, #tpu.memory_space<hbm>>
      %dma_wait3A_315 = tpu.memref_slice %arg4[%mul3A_311] : memref<16384xf32, #tpu.memory_space<hbm>> -> memref<512xf32, #tpu.memory_space<hbm>>
      tpu.wait_dma2 semaphore(%run_scoped3A : memref<!tpu.dma_semaphore, #tpu.memory_space<semaphore_mem>>) src(%arg7 : memref<512xf32, #tpu.memory_space<vmem>>) dst(%dma_wait3A_315 : memref<512xf32, #tpu.memory_space<hbm>>)
      tpu.yield
    }) : () -> ()
    return
  }
}

module attributes {stable_mosaic.version = 14 : i64} {
  func.func @_matmul_body(%arg0: i32, %arg1: memref<16x2048xf32, #tpu.memory_space<vmem>>, %arg2: memref<16x1024xf32, #tpu.memory_space<vmem>>, %arg3: memref<2048x1024xf32, #tpu.memory_space<vmem>>) attributes {dimension_semantics = [#tpu.dimension_semantics<arbitrary>], iteration_bounds = array<i64: 49>, scalar_prefetch = 0 : i64, scratch_operands = 0 : i64, tpu.core_type = #tpu.core_type<tc>, window_params = [{transform_indices = @transform_0, window_bounds = array<i64: 16, 2048>}, {pipeline_mode = #tpu.pipeline_mode<synchronous>, transform_indices = @transform_1, window_bounds = array<i64: 16, 1024>}, {transform_indices = @transform_2, window_bounds = array<i64: 2048, 1024>}]} {
    %get3A = arith.constant 0 : index
    %get3A_0 = arith.constant 0 : index
    %get3A_1 = vector.load %arg1[%get3A, %get3A_0] : memref<16x2048xf32, #tpu.memory_space<vmem>>, vector<16x2048xf32>
    %convert_element_type3A = arith.truncf %get3A_1 : vector<16x2048xf32> to vector<16x2048xbf16>
    %get3A_2 = arith.constant 0 : index
    %get3A_3 = arith.constant 0 : index
    %get3A_4 = vector.load %arg2[%get3A_2, %get3A_3] : memref<16x1024xf32, #tpu.memory_space<vmem>>, vector<16x1024xf32>
    %convert_element_type3A_5 = arith.truncf %get3A_4 : vector<16x1024xf32> to vector<16x1024xbf16>
    %dot_general3A = arith.constant dense<0.000000e+00> : vector<2048x1024xf32>
    %dot_general3A_6 = tpu.matmul %convert_element_type3A, %convert_element_type3A_5, %dot_general3A {dimension_numbers = #tpu.dot_dimension_numbers<[0], [0], [1], [1], [0, 1, 1, 1], [], []>, transpose_lhs_hint = false} : vector<16x2048xbf16>, vector<16x1024xbf16>, vector<2048x1024xf32> -> vector<2048x1024xf32>
    %swap3A = arith.constant 0 : index
    %swap3A_7 = arith.constant 0 : index
    %swap3A_8 = vector.load %arg3[%swap3A, %swap3A_7] : memref<2048x1024xf32, #tpu.memory_space<vmem>>, vector<2048x1024xf32>
    tpu.vector_store %arg3[%swap3A, %swap3A_7], %dot_general3A_6 {strides = array<i32>} : memref<2048x1024xf32, #tpu.memory_space<vmem>>, vector<2048x1024xf32>,
    return
  }
  func.func @transform_0(%arg0: i32) -> (i32, i32) {
    %c0_i32 = arith.constant 0 : i32
    %c0_i32_0 = arith.constant 0 : i32
    return %c0_i32, %arg0 : i32, i32
  }
  func.func @transform_1(%arg0: i32) -> (i32, i32) {
    %c0_i32 = arith.constant 0 : i32
    %c0_i32_0 = arith.constant 0 : i32
    %c0_i32_1 = arith.constant 0 : i32
    return %c0_i32, %c0_i32_0 : i32, i32
  }
  func.func @transform_2(%arg0: i32) -> (i32, i32) {
    %c0_i32 = arith.constant 0 : i32
    %c0_i32_0 = arith.constant 0 : i32
    return %arg0, %c0_i32 : i32, i32
  }
}

</mosaic_0001>

<sc_bundles>
// kernel: kernel.4.cloned.1.call-start
scs
__scs_entry_jumppad:
0x0: {  	(pc) =	sbr.rel $0x88, $3  }
0x1: {  	(tag) =	ssettag $0x0;
	lr =	simm.s32 $0x1  }
0x2: {  	[smem:$0x3F9F] =	sst lr;
	_ =	strace $0xD0000000  }
0x3: {  	_ = 	snop  }
0x4: {  	_ = 	snop  }
0x5: {  	_ = 	snop  }
0x6: {  	_ = 	snop  }
0x7: {  	_ = 	snop  }
__scs_overlays_trampoline_lowered:
0x8: {  	[smem:$0x3FAE] =	sst s0  }
0x9: {  	[smem:$0x3FAF] =	sst s1  }
0xa: {  	[smem:$0x3FB0] =	sst s2  }
0xb: {  	[smem:$0x3FB1] =	sst s3  }
0xc: {  	[smem:$0x3FB2] =	sst s4  }
0xd: {  	[smem:$0x3FB3] =	sst s5  }
0xe: {  	[smem:$0x3FB4] =	sst s6  }
0xf: {  	[smem:$0x3FB5] =	sst s7  }
0x10: {  	[smem:$0x3FB6] =	sst s8  }
0x11: {  	[smem:$0x3FB7] =	sst s9;
	s0 =	simm.s32 @!p0 $0x0  }
0x12: {  	s1 =	sld [smem:$0x3F9D];
	s0 =	simm.s32 @p0 $0x1  }
0x13: {  	[smem:$0x3FB8] =	sst s0;
	s0 =	simm.s32 @!p1 $0x0  }
0x14: {  	s2 =	sld [smem:$0x3F9C];
	s0 =	simm.s32 @p1 $0x1  }
0x15: {  	[smem:$0x3FB9] =	sst s0;
	s0 =	simm.s32 @!p2 $0x0  }
0x16: {  	s3 =	sld [smem:$0x3FDB];
	s0 =	simm.s32 @p2 $0x1  }
0x17: {  	s4 =	simm.s32 $0x1BF5;
	[smem:$0x3FBB] =	sst s0  }
0x18: {  	s0 =	sld [smem:$0x3F9E];
	_ =	swait.ge [sflag:s4], $0x0  }
0x19: {  	s7 =	sld [smem:$0x3F9F]  }
0x1a: {  	s8 =	sadd.s32 $0xFFFFE003, lr  }
0x1b: {  	s9 =	sadd.s32 $0xFFFFFEF7, lr;
	s5 =	simm.s32 $0xFFFFFFFF;
	p2 =	slt.u32 s8, $0xFFFFF086  }
0x1c: {  	p1 =	slt.u32 s9, $0xF7A;
	s5 =	simm.s32 @!p2 $0x0  }
0x1d: {  	s5 =	simm.s32 @p1 $0x1;
	p0 =	seq.s32 s7, s2  }
0x1e: {  	s7 =	smul.u32 @!p0 $0xF7A, s2;
	p2 =	seq.s32 @!p0 s5, $0x0  }
0x1f: {  	s9 =	smul.u32 $0xF7A, s1;
	s8 =	simm.s32 @!p0 $0x1BF5;
	p2 =	por !p2, p0  }
0x20: {  	[sflag:s8] =	ssyncset.s32 @!p0 $0xFFFFF086;
	s6 =	sadd.s32 @!p0 s3, s7;
	s7 =	simm.s32 @!p0 $0x108  }
0x21: {  	s3 =	sadd.s32 s3, s9;
	s6 =	sadd.s32 @!p0 $0x88, s6;
	s7 =	simm.s32 @p2 $0x1082  }
0x22: {  	[simem:s7], [sflag:s8] =	dma.local @!p0 [hbm:s6], $0xF7A  }
0x23: {  	s9 =	sor.u32 $0xD0000000, s2;
	s6 =	simm.s32 $0x108;
	_ =	swait.ge @!p0 [sflag:s8], $0x0  }
0x24: {  	s3 =	sadd.s32 $0x88, s3;
	s6 =	simm.s32 @!p1 $0x1082;
	[sflag:s4] =	ssyncset.s32 $0xFFFFF086  }
0x25: {  	[simem:s6], [sflag:s4] =	dma.local [hbm:s3], $0xF7A  }
0x26: {  	[smem:$0x3F9F] =	sst s1;
	(tag) =	ssettag s2;
	_ =	strace s9  }
0x27: {  	s1 =	sld [smem:$0x3FAF]  }
0x28: {  	s2 =	sld [smem:$0x3FB0]  }
0x29: {  	s4 =	sld [smem:$0x3FB2]  }
0x2a: {  	p0 =	seq.s32 s5, $0x0;
	s5 =	sld [smem:$0x3FB3]  }
0x2b: {  	s6 =	sld [smem:$0x3FB4]  }
0x2c: {  	s7 =	sld [smem:$0x3FB5]  }
0x2d: {  	s3 =	simm.s32 $0x108;
	s8 =	sld [smem:$0x3FB6]  }
0x2e: {  	s3 =	simm.s32 @!p0 $0x1082;
	s9 =	sld [smem:$0x3FB7]  }
0x2f: {  	lr =	sadd.s32 s0, s3;
	s0 =	sld [smem:$0x3FAE]  }
0x30: {  	s3 =	sld [smem:$0x3FB1]  }
0x31: {  	[smem:$0x3FBA] =	sst s10  }
0x32: {  	s10 =	sld [smem:$0x3FB8];
	_ =	sdelay $0x3  }
0x33: {  	p0 =	seq.s32 s10, $0x1;
	s10 =	sld [smem:$0x3FBA];
	_ =	sdelay $0x3  }
0x34: {  	[smem:$0x3FBA] =	sst s10  }
0x35: {  	s10 =	sld [smem:$0x3FB9];
	_ =	sdelay $0x3  }
0x36: {  	p1 =	seq.s32 s10, $0x1;
	s10 =	sld [smem:$0x3FBA];
	_ =	sdelay $0x3  }
0x37: {  	[smem:$0x3FBA] =	sst s10  }
0x38: {  	s10 =	sld [smem:$0x3FBB]  }
0x39: {  	_ = 	snop;
	(pc) =	sbr.ind lr, $3  }
0x3a: {  	_ = 	snop  }
0x3b: {  	_ = 	snop  }
0x3c: {  	p2 =	seq.s32 s10, $0x1;
	s10 =	sld [smem:$0x3FBA]  }
0x3d: {  	_ =	shalt  }
0x3e: {  	_ =	shalt  }
0x3f: {  	_ =	shalt  }
0x40: {  	_ =	shalt  }
0x41: {  	_ =	shalt  }
0x42: {  	_ =	shalt  }
0x43: {  	_ =	shalt  }
0x44: {  	_ =	shalt  }
0x45: {  	_ =	shalt  }
0x46: {  	_ =	shalt  }
0x47: {  	_ =	shalt  }
0x48: {  	_ =	shalt  }
0x49: {  	_ =	shalt  }
0x4a: {  	_ =	shalt  }
0x4b: {  	_ =	shalt  }
0x4c: {  	_ =	shalt  }
0x4d: {  	_ =	shalt  }
0x4e: {  	_ =	shalt  }
0x4f: {  	_ =	shalt  }
0x50: {  	_ =	shalt  }
0x51: {  	_ =	shalt  }
0x52: {  	_ =	shalt  }
0x53: {  	_ =	shalt  }
0x54: {  	_ =	shalt  }
0x55: {  	_ =	shalt  }
0x56: {  	_ =	shalt  }
0x57: {  	_ =	shalt  }
0x58: {  	_ =	shalt  }
0x59: {  	_ =	shalt  }
0x5a: {  	_ =	shalt  }
0x5b: {  	_ =	shalt  }
0x5c: {  	_ =	shalt  }
0x5d: {  	_ =	shalt  }
0x5e: {  	_ =	shalt  }
0x5f: {  	_ =	shalt  }
0x60: {  	_ =	shalt  }
0x61: {  	_ =	shalt  }
0x62: {  	_ =	shalt  }
0x63: {  	_ =	shalt  }
0x64: {  	_ =	shalt  }
0x65: {  	_ =	shalt  }
0x66: {  	_ =	shalt  }
0x67: {  	_ =	shalt  }
0x68: {  	_ =	shalt  }
0x69: {  	_ =	shalt  }
0x6a: {  	_ =	shalt  }
0x6b: {  	_ =	shalt  }
0x6c: {  	_ =	shalt  }
0x6d: {  	_ =	shalt  }
0x6e: {  	_ =	shalt  }
0x6f: {  	_ =	shalt  }
0x70: {  	_ =	shalt  }
0x71: {  	_ =	shalt  }
0x72: {  	_ =	shalt  }
0x73: {  	_ =	shalt  }
0x74: {  	_ =	shalt  }
0x75: {  	_ =	shalt  }
0x76: {  	_ =	shalt  }
0x77: {  	_ =	shalt  }
0x78: {  	_ =	shalt  }
0x79: {  	_ =	shalt  }
0x7a: {  	_ =	shalt  }
0x7b: {  	_ =	shalt  }
0x7c: {  	_ =	shalt  }
0x7d: {  	_ =	shalt  }
0x7e: {  	_ =	shalt  }
0x7f: {  	_ =	shalt  }
0x80: {  	_ =	shalt  }
0x81: {  	_ =	shalt  }
0x82: {  	_ =	shalt  }
0x83: {  	_ =	shalt  }
0x84: {  	_ =	shalt  }
0x85: {  	_ =	shalt  }
0x86: {  	_ =	shalt  }
0x87: {  	_ =	shalt  }
.Lfunc_end0:
.L_simem_size_0:
called_computation_lowered:
.L_overlay_start_0:
0x88: {  	s2 =	sld [smem:$0x3FD9]  }
0x89: {  	s3 =	sld [smem:$0x3FFE];
	_ =	sdelay $0x1  }
0x8a: {  	s1 =	srdreg.scid  }
0x8b: {  	s0 =	sand.u32 $0x1, s1  }
0x8c: {  	s17 =	sshll.u32 s0, $0xA;
	s2 =	sadd.s32 s3, s2  }
0x8d: {  	s2 =	sadd.s32 s2, s17  }
0x8e: {  	[smem:$0x3FC6] =	sst s2  }
0x8f: {  	_ = 	snop  }
0x90: {  	s2 =	sld [smem:$0x3FC9]  }
0x91: {  	s18 =	sld [smem:$0x3FD0];
	(tm) =	ssettm $0x1  }
0x92: {  	s4 =	sld [smem:$0x3FFB];
	_ =	sdelay $0x3  }
0x93: {  	_ =	strace s4  }
0x94: {  	s4 =	sld [smem:$0x3FFC];
	_ =	sdelay $0x3  }
0x95: {  	_ =	strace s4  }
0x96: {  	s4 =	sld [smem:$0x3FFD];
	_ =	sdelay $0x3  }
0x97: {  	_ =	strace s4  }
0x98: {  	_ =	strace $0x8FFFFFFF  }
0x99: {  	s19 =	sld [smem:$0x3FDB];
	_ =	sdelay $0x1  }
0x9a: {  	s5 =	simm.s32 $_scs_section_size  }
0x9b: {  	s6 =	simm.s32 $_size__tile_overlayer_lowered;
	s7 =	simm.s32 $_tile_overlayer_lowered  }
0x9c: {  	s22 =	simm.s32 $0x1BFF;
	s21 =	sshll.u32 s7, $0x1;
	s4 =	sadd.s32 s5, s19  }
0x9d: {  	s8 =	simm.s32 $0x0;
	s20 =	sshll.u32 s6, $0x1;
	s6 =	sadd.s32 s21, s4  }
0x9e: {  	[timem:s8], [sflag:s22] =	dma.local [hbm:s6], s20  }
0x9f: {  	_ =	swait.ge [sflag:s22], s20  }
0xa0: {  	s5 =	ssub.s32 $0x0, s20;
	[sflag:s22] =	ssyncset.done $0x0  }
0xa1: {  	[sflag:s22] =	ssyncadd.s32 s5;
	_ =	sdelay $0x1  }
0xa2: {  	s23 =	simm.s32 $0x1B8B  }
0xa3: {  	_ =	swait.ge [sflag:s23], $0x1  }
0xa4: {  	[sflag:s23] =	ssyncset.done $0x0  }
0xa5: {  	s25 =	simm.s32 $0x1B8E;
	s24 =	sld [smem:$0x3FFE];
	[sflag:s23] =	ssyncadd.s32 $0xFFFFFFFF  }
0xa6: {  	s26 =	simm.s32 $execute0_lowered;
	[smem:$0x3FD2] =	sst s25  }
0xa7: {  	s6 =	sshll.u32 s26, $0x1;
	_ =	strace $0x80000046;
	[dreg:$0x1] =	wrdreg $0xFFFFFFFF  }
0xa8: {  	s28 =	simm.s32 $_size_execute0_lowered;
	s4 =	sadd.s32 s4, s6;
	[dreg:$0x0] =	wrdreg $0x0  }
0xa9: {  	s6 =	sshll.u32 s28, $0x1;
	[dreg:$0x2] =	wrdreg s4  }
0xaa: {  	[dreg:$0x3] =	wrdreg s6  }
0xab: {  	[dreg:$0x4] =	wrdreg $0xC0  }
0xac: {  	_ =	task [dreg:s8], $0x5FFFF  }
0xad: {  	[dreg:$0x1] =	wrdreg $0xFFFFFFFF  }
0xae: {  	[dreg:$0x0] =	wrdreg $0x60  }
0xaf: {  	[dreg:$0x2] =	wrdreg s18  }
0xb0: {  	[dreg:$0x3] =	wrdreg s2  }
0xb1: {  	[dreg:$0x4] =	wrdreg s24  }
0xb2: {  	[dreg:$0x5] =	wrdreg $0x9  }
0xb3: {  	_ =	task.clear_ibuf [dreg:s8], $0x6FFFF;
	_ =	strace $0x90000046  }
0xb4: {  	s29 =	simm.s32 $0x9;
	_ =	strace $0x80000048  }
0xb5: {  	_ =	swait.ge [sflag:s29], $0x1  }
0xb6: {  	[sflag:s29] =	ssyncadd.s32 $0xFFFFFFFF  }
0xb7: {  	_ =	strace $0x90000048  }
0xb8: {  	_ =	sfence  }
0xb9: {  	s30 =	sld [smem:$0x0];
	_ =	sdelay $0x2  }
0xba: {  	s31 =	sshll.u32 s1, $0xD;
	s1 =	sshrl.u32 s1, $0x2  }
0xbb: {  	s3 =	sand.u32 $0x4000, s31;
	s1 =	sadd.s32 s1, s30  }
0xbc: {  	s0 =	sor.u32 s3, s0;
	s1 =	sshll.u32 s1, $0x11  }
0xbd: {  	s0 =	sor.u32 s1, s0  }
0xbe: {  	s0 =	sadd.s32 $0x8F2B, s0  }
0xbf: {  	[sflag:s0] =	ssyncadd.remote.s32 $0x1  }
0xc0: {  	_ =	sfence.sel $0xFFFF  }
0xc1: {  	[dreg:$0x0] =	wrdreg $0xFFFFFFFF;
	(pc) =	sbr.abs _section_cstart, $3  }
0xc2: {  	[dreg:$0x1] =	wrdreg $0xFFFFFFFF  }
0xc3: {  	_ =	task.clear_ibuf [dreg:s8], $0x2FFFF;
	_ =	strace $0x9FFFFFFF  }
0xc4: {  	(tm) =	ssettm $0x7FFFFFFF  }
0xc5: {  	_ =	shalt  }
tec
execute0_lowered:
.L_overlay_start_1:
0x0: {  	(tag) =	ssettag $0x1  }
0x1: {  	s4 =	rddreg [dreg:$0x0]  }
0x2: {  	s3 =	rddreg [dreg:$0x1]  }
0x3: {  	s1 =	srdreg.scid;
	s0 =	stileid.u32  }
0x4: {  	s6 =	rddreg [dreg:$0x2];
	s8 =	sand.u32 $0x1, s1;
	s5 =	sshll.u32 s0, $0x1  }
0x5: {  	s2 =	simm.s32 $0x0;
	s1 =	rddreg [dreg:$0x3];
	s7 =	sor.u32 s8, s5  }
0x6: {  	[smem:$0x7FF] =	sst s2;
	s5 =	sshll.u32 s7, $0x2  }
0x7: {  	_ =	strace $0x80000047;
	s5 =	sadd.s32 s3, s5;
	s3 =	simm.s32 $0x2  }
0x8: {  	[tilespmem:s2], [sflag:$0x2] =	stream.linear.gather [hbm4b:s5+s2], $0x20, $0x38;
	[tilespmem:$0x420] =	vst v63  }
0x9: {  	_ =	swait.ge [sflag:s3], $0x20  }
0xa: {  	[sflag:s3] =	ssyncset.done $0x0  }
0xb: {  	[sflag:s3] =	ssyncadd.s32 $0xFFFFFFE0  }
0xc: {  	v4 =	vld [tilespmem:$0x0];
	_ =	sdelay $0x3  }
0xd: {  	v0 =	vlaneseq.u32;
	v2 =	vld [tilespmem:$0x10]  }
0xe: {  	v0 =	vmul.u32 $0x186A0, v0;
	v1 =	vbroadcast v4, $0x0  }
0xf: {  	v6 =	vbroadcast v4, $0xD  }
0x10: {  	v7 =	vbroadcast v4, $0x2;
	v1 =	vadd.s32 v0, v1  }
0x11: {  	v8 =	vbroadcast v4, $0x1;
	v6 =	vadd.s32 v0, v6;
	[tilespmem:$0x20] =	vst v1  }
0x12: {  	v3 =	vbroadcast v2, $0x0;
	v7 =	vadd.s32 v0, v7;
	[tilespmem:$0xF0] =	vst v6  }
0x13: {  	v5 =	vbroadcast v2, $0xC;
	v8 =	vadd.s32 v0, v8;
	[tilespmem:$0x40] =	vst v7  }
0x14: {  	v1 =	vadd.s32 v0, v3;
	v3 =	vbroadcast v2, $0x1;
	[tilespmem:$0x30] =	vst v8  }
0x15: {  	v6 =	vbroadcast v2, $0x3;
	[tilespmem:$0x120] =	vst v1;
	v1 =	vadd.s32 v0, v5  }
0x16: {  	v7 =	vbroadcast v4, $0x6;
	v3 =	vadd.s32 v0, v3;
	[tilespmem:$0x1E0] =	vst v1  }
0x17: {  	v5 =	vbroadcast v2, $0x2;
	v1 =	vbroadcast v2, $0x5;
	v6 =	vadd.s32 v0, v6;
	[tilespmem:$0x130] =	vst v3  }
0x18: {  	v10 =	vbroadcast v4, $0x4;
	v11 =	vbroadcast v4, $0xE;
	v7 =	vadd.s32 v0, v7;
	[tilespmem:$0x150] =	vst v6  }
0x19: {  	v3 =	vadd.s32 v0, v5;
	v5 =	vbroadcast v2, $0x4;
	[tilespmem:$0x80] =	vst v7;
	v1 =	vadd.s32 v0, v1  }
0x1a: {  	v12 =	vbroadcast v4, $0x9;
	[tilespmem:$0x170] =	vst v1;
	v1 =	vbroadcast v2, $0x7  }
0x1b: {  	v13 =	vbroadcast v4, $0xA;
	[tilespmem:$0x140] =	vst v3;
	v3 =	vadd.s32 v0, v5;
	v5 =	vbroadcast v2, $0x6  }
0x1c: {  	v6 =	vbroadcast v2, $0x9;
	[tilespmem:$0x160] =	vst v3;
	v3 =	vbroadcast v2, $0xD;
	v1 =	vadd.s32 v0, v1  }
0x1d: {  	v14 =	vbroadcast v4, $0xF;
	v5 =	vadd.s32 v0, v5;
	[tilespmem:$0x190] =	vst v1;
	v1 =	vbroadcast v2, $0x8  }
0x1e: {  	s8 =	ssub.s32 $0x2, s8;
	[tilespmem:$0x180] =	vst v5;
	v3 =	vadd.s32 v0, v3;
	v5 =	vadd.s32 v0, v6;
	v6 =	vbroadcast v2, $0xA  }
0x1f: {  	s9 =	sshrl.u32 s8, $0x1;
	v8 =	vbroadcast v4, $0x8;
	[tilespmem:$0x1F0] =	vst v3;
	v3 =	vbroadcast v2, $0xB  }
0x20: {  	s31 =	ssub.s32 s8, s9;
	v7 =	vbroadcast v4, $0x7;
	[tilespmem:$0x1B0] =	vst v5;
	v9 =	vadd.s32 v0, v1;
	v1 =	vadd.s32 v0, v6  }
0x21: {  	s17 =	smax.u32 s31, $0x1;
	v6 =	vbroadcast v2, $0xE;
	[tilespmem:$0x1A0] =	vst v9;
	v9 =	vadd.s32 v0, v3;
	v3 =	vadd.s32 v0, v10  }
0x22: {  	p0 =	sne.s32 s17, $0x1;
	v2 =	vbroadcast v2, $0xF;
	v10 =	vbroadcast v4, $0xB;
	[tilespmem:$0x60] =	vst v3  }
.Ltmp0:
0x23: {  	s10 =	simm.s32 $0xA0;
	s11 =	simm.s32 $0x2A0;
	v5 =	vbroadcast v4, $0x3;
	v6 =	vadd.s32 v0, v6;
	v3 =	vbroadcast v4, $0x5;
	[tilespmem:$0x1D0] =	vst v9;
	(pc) =	sbr.rel @!p0 .LBB2_2-.Ltmp0, $4  }
0x24: {  	s12 =	simm.s32 $0x120;
	s14 =	simm.s32 $0x320;
	s15 =	simm.s32 $0x1A0;
	v2 =	vadd.s32 v0, v2;
	v9 =	vadd.s32 v0, v14;
	v10 =	vadd.s32 v0, v10;
	[tilespmem:$0x200] =	vst v6  }
0x25: {  	s16 =	simm.s32 $0x3A0;
	s13 =	simm.s32 $0x1;
	s7 =	sshll.u32 s7, $0x6;
	v6 =	vadd.s32 v0, v11;
	v11 =	vbroadcast v4, $0xC;
	v4 =	vadd.s32 v0, v7;
	[tilespmem:$0xD0] =	vst v10  }
0x26: {  	s6 =	sadd.s32 s7, s6;
	s8 =	simm.s32 $0x80;
	s9 =	simm.s32 $0x20;
	v3 =	vadd.s32 v0, v3;
	v10 =	vadd.s32 v0, v5;
	[tilespmem:$0x100] =	vst v6;
	v6 =	vadd.s32 v0, v8  }
0x27: {  	s7 =	simm.s32 $0x220;
	s6 =	sadd.s32 $0xC00, s6;
	s17 =	sadd.s32 $0xFFFFFFFF, s17;
	v5 =	vadd.s32 v0, v12;
	v8 =	vadd.s32 v0, v13;
	v7 =	vadd.s32 v0, v11;
	[tilespmem:$0x50] =	vst v10  }
.LBB2_1:
0x28: {  	p0 =	sne.s32 s17, $0x1;
	s17 =	sadd.s32 $0xFFFFFFFF, s17;
	[tilespmem:$0x110] =	vst v9  }
0x29: {  	[tilespmem:$0xC0] =	vst v8  }
0x2a: {  	[tilespmem:$0x1C0] =	vst v1  }
0x2b: {  	[tilespmem:$0x210] =	vst v2  }
0x2c: {  	[tilespmem:$0xE0] =	vst v7  }
0x2d: {  	[tilespmem:$0x70] =	vst v3  }
0x2e: {  	[tilespmem:$0xA0] =	vst v6  }
0x2f: {  	[tilespmem:$0x90] =	vst v4  }
0x30: {  	[tilespmem:$0xB0] =	vst v5  }
0x31: {  	[tilespmem:s7], [sflag:$0x1] =	stream.indirect.gather [hbm4b:s4+s8], $0x1, s9, s8, $0xb8;
	[tilespmem:$0x420] =	vst v63  }
0x32: {  	_ = 	snop  }
0x33: {  	[tilespmem:s11], [sflag:$0x1] =	stream.indirect.gather [hbm4b:s4+s8], $0x1, s10, s8, $0xb8;
	[tilespmem:$0x420] =	vst v63  }
0x34: {  	_ = 	snop  }
0x35: {  	[tilespmem:s14], [sflag:$0x1] =	stream.indirect.gather [hbm4b:s4+s8], $0x1, s12, s8, $0xb8;
	[tilespmem:$0x420] =	vst v63  }
0x36: {  	_ = 	snop  }
0x37: {  	[tilespmem:s16], [sflag:$0x1] =	stream.indirect.gather [hbm4b:s4+s8], $0x1, s15, s8, $0xb8;
	[tilespmem:$0x420] =	vst v63  }
0x38: {  	_ =	swait.ge [sflag:s13], $0x80  }
0x39: {  	[sflag:s13] =	ssyncset.done $0x0  }
0x3a: {  	[sflag:s13] =	ssyncadd.s32 $0xFFFFFF80  }
0x3b: {  	_ =	swait.ge [sflag:s13], $0x80  }
0x3c: {  	[sflag:s13] =	ssyncset.done $0x0  }
0x3d: {  	[sflag:s13] =	ssyncadd.s32 $0xFFFFFF80  }
0x3e: {  	_ =	swait.ge [sflag:s13], $0x80  }
0x3f: {  	[sflag:s13] =	ssyncset.done $0x0  }
0x40: {  	[sflag:s13] =	ssyncadd.s32 $0xFFFFFF80  }
0x41: {  	_ =	swait.ge [sflag:s13], $0x80  }
0x42: {  	[sflag:s13] =	ssyncset.done $0x0  }
0x43: {  	[sflag:s13] =	ssyncadd.s32 $0xFFFFFF80  }
0x44: {  	[hbm4b:s6+s2] =	stream.linear.scatter [tilespmem:s7], [sflag:$0x2], $0x200, $0x38;
	[tilespmem:$0x420] =	vst v63  }
0x45: {  	_ =	swait.ge [sflag:s3], $0x200  }
0x46: {  	[sflag:s3] =	ssyncset.done $0x0  }
0x47: {  	[sflag:s3] =	ssyncadd.s32 $0xFFFFFE00  }
0x48: {  	[tilespmem:s2], [sflag:$0x2] =	stream.linear.gather [hbm4b:s5+s2], $0x20, $0x38;
	[tilespmem:$0x420] =	vst v63  }
0x49: {  	_ =	swait.ge [sflag:s3], $0x20  }
0x4a: {  	[sflag:s3] =	ssyncset.done $0x0  }
0x4b: {  	[sflag:s3] =	ssyncadd.s32 $0xFFFFFFE0  }
0x4c: {  	v7 =	vld [tilespmem:$0x0]  }
0x4d: {  	v2 =	vld [tilespmem:$0x10];
	_ =	sdelay $0x3  }
0x4e: {  	v1 =	vbroadcast v7, $0x0;
	v8 =	vbroadcast v7, $0x1  }
0x4f: {  	v3 =	vbroadcast v7, $0xD;
	v4 =	vbroadcast v2, $0x0  }
0x50: {  	v5 =	vbroadcast v2, $0x2;
	v6 =	vbroadcast v2, $0xC;
	v1 =	vadd.s32 v0, v1  }
0x51: {  	v9 =	vbroadcast v2, $0x8;
	[tilespmem:$0x20] =	vst v1;
	v1 =	vadd.s32 v0, v4;
	v4 =	vbroadcast v2, $0x1  }
0x52: {  	v6 =	vadd.s32 v0, v6;
	[tilespmem:$0x120] =	vst v1;
	v1 =	vadd.s32 v0, v5;
	v5 =	vbroadcast v2, $0x5  }
0x53: {  	v10 =	vbroadcast v2, $0x3;
	v11 =	vbroadcast v2, $0x9;
	v4 =	vadd.s32 v0, v4;
	[tilespmem:$0x1E0] =	vst v6  }
0x54: {  	v3 =	vadd.s32 v0, v3;
	v6 =	vbroadcast v2, $0x6;
	[tilespmem:$0x130] =	vst v4;
	v4 =	vbroadcast v2, $0x4  }
0x55: {  	v5 =	vadd.s32 v0, v5;
	[tilespmem:$0xF0] =	vst v3;
	v3 =	vadd.s32 v0, v10;
	v10 =	vadd.s32 v0, v11  }
0x56: {  	v6 =	vadd.s32 v0, v6;
	v11 =	vbroadcast v2, $0xB;
	[tilespmem:$0x140] =	vst v1;
	v1 =	vbroadcast v2, $0xA  }
0x57: {  	v9 =	vadd.s32 v0, v9;
	v4 =	vadd.s32 v0, v4;
	[tilespmem:$0x170] =	vst v5;
	v5 =	vbroadcast v2, $0x7  }
0x58: {  	v11 =	vadd.s32 v0, v11;
	[tilespmem:$0x160] =	vst v4;
	v1 =	vadd.s32 v0, v1;
	v4 =	vbroadcast v2, $0xE  }
0x59: {  	[tilespmem:$0x150] =	vst v3;
	v3 =	vadd.s32 v0, v5;
	v5 =	vbroadcast v2, $0xD;
	v2 =	vbroadcast v2, $0xF  }
0x5a: {  	v12 =	vbroadcast v7, $0x2;
	v13 =	vbroadcast v7, $0x3;
	[tilespmem:$0x190] =	vst v3;
	v14 =	vadd.s32 v0, v4  }
0x5b: {  	v3 =	vbroadcast v7, $0x4;
	[tilespmem:$0x180] =	vst v6;
	v4 =	vadd.s32 v0, v5;
	v2 =	vadd.s32 v0, v2  }
0x5c: {  	v5 =	vadd.s32 v0, v12;
	v6 =	vbroadcast v7, $0x5;
	v12 =	vbroadcast v7, $0x6;
	[tilespmem:$0x1F0] =	vst v4  }
0x5d: {  	v15 =	vbroadcast v7, $0x8;
	v4 =	vbroadcast v7, $0x7;
	[tilespmem:$0x40] =	vst v5;
	v5 =	vadd.s32 v0, v3  }
0x5e: {  	v16 =	vbroadcast v7, $0x9;
	v3 =	vadd.s32 v0, v6;
	v12 =	vadd.s32 v0, v12;
	[tilespmem:$0x1A0] =	vst v9  }
0x5f: {  	v13 =	vadd.s32 v0, v13;
	v6 =	vadd.s32 v0, v15;
	v4 =	vadd.s32 v0, v4;
	[tilespmem:$0x1B0] =	vst v10  }
0x60: {  	v9 =	vbroadcast v7, $0xA;
	v10 =	vbroadcast v7, $0xB;
	[tilespmem:$0x60] =	vst v5;
	v5 =	vadd.s32 v0, v16  }
0x61: {  	v8 =	vadd.s32 v0, v8;
	v15 =	vbroadcast v7, $0xE;
	[tilespmem:$0x80] =	vst v12;
	v12 =	vbroadcast v7, $0xC  }
0x62: {  	[tilespmem:$0x30] =	vst v8;
	v8 =	vadd.s32 v0, v9;
	v9 =	vadd.s32 v0, v10;
	v10 =	vbroadcast v7, $0xF  }
.Ltmp1:
0x63: {  	v7 =	vadd.s32 v0, v12;
	v12 =	vadd.s32 v0, v15;
	[tilespmem:$0x200] =	vst v14;
	(pc) =	sbr.rel @p0 .LBB2_1-.Ltmp1, $4  }
0x64: {  	[tilespmem:$0xD0] =	vst v9;
	v9 =	vadd.s32 v0, v10  }
0x65: {  	[tilespmem:$0x100] =	vst v12  }
0x66: {  	[tilespmem:$0x1D0] =	vst v11  }
0x67: {  	[tilespmem:$0x50] =	vst v13  }
.LBB2_2:
0x68: {  	[tilespmem:$0x110] =	vst v9  }
0x69: {  	[tilespmem:$0xC0] =	vst v8  }
0x6a: {  	[tilespmem:$0x1C0] =	vst v1  }
0x6b: {  	[tilespmem:$0x210] =	vst v2  }
0x6c: {  	[tilespmem:$0xE0] =	vst v7  }
0x6d: {  	[tilespmem:$0x70] =	vst v3  }
0x6e: {  	[tilespmem:$0xA0] =	vst v6  }
0x6f: {  	[tilespmem:$0x90] =	vst v4  }
0x70: {  	[tilespmem:$0xB0] =	vst v5  }
0x71: {  	[tilespmem:s7], [sflag:$0x1] =	stream.indirect.gather [hbm4b:s4+s8], $0x1, s9, s8, $0xb8;
	[tilespmem:$0x420] =	vst v63  }
0x72: {  	_ = 	snop  }
0x73: {  	[tilespmem:s11], [sflag:$0x1] =	stream.indirect.gather [hbm4b:s4+s8], $0x1, s10, s8, $0xb8;
	[tilespmem:$0x420] =	vst v63  }
0x74: {  	_ = 	snop  }
0x75: {  	[tilespmem:s14], [sflag:$0x1] =	stream.indirect.gather [hbm4b:s4+s8], $0x1, s12, s8, $0xb8;
	[tilespmem:$0x420] =	vst v63  }
0x76: {  	_ = 	snop  }
0x77: {  	[tilespmem:s16], [sflag:$0x1] =	stream.indirect.gather [hbm4b:s4+s8], $0x1, s15, s8, $0xb8;
	[tilespmem:$0x420] =	vst v63  }
0x78: {  	_ =	swait.ge [sflag:s13], $0x80  }
0x79: {  	[sflag:s13] =	ssyncset.done $0x0  }
0x7a: {  	[sflag:s13] =	ssyncadd.s32 $0xFFFFFF80  }
0x7b: {  	_ =	swait.ge [sflag:s13], $0x80  }
0x7c: {  	[sflag:s13] =	ssyncset.done $0x0  }
0x7d: {  	[sflag:s13] =	ssyncadd.s32 $0xFFFFFF80  }
0x7e: {  	_ =	swait.ge [sflag:s13], $0x80  }
0x7f: {  	[sflag:s13] =	ssyncset.done $0x0  }
0x80: {  	[sflag:s13] =	ssyncadd.s32 $0xFFFFFF80  }
0x81: {  	_ =	swait.ge [sflag:s13], $0x80  }
0x82: {  	[sflag:s13] =	ssyncset.done $0x0  }
0x83: {  	[sflag:s13] =	ssyncadd.s32 $0xFFFFFF80  }
0x84: {  	[hbm4b:s6+s2] =	stream.linear.scatter [tilespmem:s7], [sflag:$0x2], $0x200, $0x38;
	[tilespmem:$0x420] =	vst v63  }
0x85: {  	_ =	swait.ge [sflag:s3], $0x200  }
0x86: {  	[sflag:s3] =	ssyncset.done $0x0  }
0x87: {  	[sflag:s3] =	ssyncadd.s32 $0xFFFFFE00  }
0x88: {  	_ =	sfence.sel $0x180000  }
0x89: {  	[bflag:$0x0] =	sbarrier.arrive $0xFFFF  }
0x8a: {  	p0 =	sne.s32 s0, $0x0;
	_ =	strace $0x90000047  }
0x8b: {  	s0 =	sadd.s32 @!p0 $0x100000, s1;
	[bflag:$0x2] =	sbarrier.arrive $0xFFFF  }
0x8c: {  	[sflag:s0] =	ssyncadd.tile.s32 @!p0 $0x1;
	_ =	shalt  }
.Lfunc_end2:
_tile_overlayer_lowered:
.L_overlay_start_2:
0x8d: {  	(tag) =	ssettag $0x2  }
0x8e: {  	s0 =	rddreg [dreg:$0x0];
	s2 =	stileid.u32  }
0x8f: {  	s1 =	rddreg [dreg:$0x1];
	p0 =	sne.s32 s2, $0x0  }
0x90: {  	s3 =	rddreg [dreg:$0x2];
	[bflag:$0x3] =	sbarrier.arrive $0xFFFF;
	s2 =	simm.s32 @!p0 $0x1C02  }
0x91: {  	[timem:s3], [sflag:s2] =	dma.local @!p0 [hbm:s0], s1  }
0x92: {  	s0 =	simm.s32 @!p0 $0x2  }
0x93: {  	_ =	swait.ge @!p0 [sflag:s0], s1  }
0x94: {  	s1 =	ssub.s32 @!p0 $0x0, s1;
	[sflag:s0] =	ssyncset.done @!p0 $0x0  }
0x95: {  	[sflag:s0] =	ssyncadd.s32 @!p0 s1  }
0x96: {  	[bflag:$0x3] =	sbarrier.arrive $0xFFFF  }
0x97: {  	_ =	shalt  }

</sc_bundles>
